<compile_context>
chip_gen: v7x
topology: tpu7x:2x2x1
jax: 0.10.2.dev20260603
libtpu: 0.0.44.dev20260713+nightly
codegen_flags: <defaults>
</compile_context>

<pallas_src>
import functools

import numpy as np
import jax
import jax.numpy as jnp
from jax import lax
from jax.experimental import pallas as pl
from jax.experimental.pallas import tpu as pltpu

_ALPHA = 1.0 / 100.0
_IGNITE_THR = 0.58
_WTA_INH = 0.85
_BIG = 0x3FFFFFFF


def _stage1_body(spk_ref, n0_ref, rmax_ref, rm2_ref, gi1_ref, gi2_ref,
                 nmda_ref, xt_ref, *, tt, w):
    it = pl.program_id(1)

    @pl.when(it == 0)
    def _():
        nmda_ref[...] = n0_ref[0, 0]

    c0 = jnp.float32(1.0 - _ALPHA)
    c1 = jnp.float32(_ALPHA)

    def body(t, nm):
        s = spk_ref[t, 0]
        nm = c0 * nm + c1 * s
        xt_ref[pl.ds(t * 8, 8), :] = nm
        return nm

    nm_fin = lax.fori_loop(0, tt, body, nmda_ref[...])
    nmda_ref[...] = nm_fin

    r = tt * 8
    big = jnp.int32(_BIG)
    wta = jnp.float32(_WTA_INH)
    x = xt_ref[...]
    rmax = jnp.max(x, axis=1, keepdims=True)
    rm1 = wta * rmax
    scores = x * wta
    lane = lax.broadcasted_iota(jnp.int32, (r, w), 1)
    l1 = jnp.min(jnp.where(scores == rm1, lane, big), axis=1, keepdims=True)
    s2 = jnp.where(lane != l1, scores, -jnp.inf)
    rm2 = jnp.max(s2, axis=1, keepdims=True)
    l2 = jnp.min(jnp.where(s2 == rm2, lane, big), axis=1, keepdims=True)

    sub = lax.broadcasted_iota(jnp.int32, (r, 1), 0) % 8
    base = pl.program_id(0) * (8 * w) + sub * w
    rmax_ref[0] = rmax
    rm2_ref[0] = rm2
    gi1_ref[0] = base + l1
    gi2_ref[0] = base + l2


def _stage2_body(rmax_ref, rm2_ref, gi1_ref, gi2_ref,
                 mask_ref, cov_ref, *, b2, cov_c):
    jb = pl.program_id(1)
    big = jnp.int32(_BIG)
    wta = jnp.float32(_WTA_INH)
    neg = jnp.float32(-jnp.inf)
    rmax = rmax_ref[...]
    v2 = rm2_ref[...]
    gi1 = gi1_ref[...]
    gi2 = gi2_ref[...]

    nmaxg = jnp.max(rmax, axis=1, keepdims=True)
    ign = nmaxg >= jnp.float32(_IGNITE_THR)

    v1 = rmax * wta
    gm1 = nmaxg * wta
    iw1 = jnp.min(jnp.where(v1 == gm1, gi1, big), axis=1, keepdims=True)

    v1x = jnp.where(gi1 == iw1, neg, v1)
    gm2 = jnp.maximum(jnp.max(v1x, axis=1, keepdims=True),
                      jnp.max(v2, axis=1, keepdims=True))
    c1b = jnp.min(jnp.where(v1x == gm2, gi1, big), axis=1, keepdims=True)
    c2b = jnp.min(jnp.where(v2 == gm2, gi2, big), axis=1, keepdims=True)
    iw2 = jnp.minimum(c1b, c2b)

    iw1m = jnp.where(ign, iw1, -1)
    iw2m = jnp.where(ign, iw2, -1)

    tt = rmax.shape[0]
    lanei = lax.broadcasted_iota(jnp.int32, (tt, b2), 1) + jb * b2
    m = (lanei == iw1m) | (lanei == iw2m)
    mask_ref[...] = m.astype(jnp.float32)

    @pl.when(jb == 0)
    def _():
        cov_ref[...] = jnp.where(ign, jnp.float32(cov_c), jnp.float32(0.0))


def kernel(spikes, nmda_state):
    t_dim, n_dim = spikes.shape
    b = 4096 if n_dim % 4096 == 0 else n_dim
    nb = n_dim // b
    w = b // 8
    nc = nb * 8
    tt = 256 if t_dim % 256 == 0 else t_dim
    nt = t_dim // tt

    spk = spikes.reshape(t_dim, nb, 8, w)
    n0 = nmda_state.reshape(nb, 1, 8, w)

    cand_f = jax.ShapeDtypeStruct((nb, 8 * t_dim, 1), jnp.float32)
    cand_i = jax.ShapeDtypeStruct((nb, 8 * t_dim, 1), jnp.int32)

    s1 = pl.pallas_call(
        functools.partial(_stage1_body, tt=tt, w=w),
        grid=(nb, nt),
        in_specs=[
            pl.BlockSpec((tt, 1, 8, w), lambda bi, ti: (ti, bi, 0, 0)),
            pl.BlockSpec((1, 1, 8, w), lambda bi, ti: (bi, 0, 0, 0)),
        ],
        out_specs=[pl.BlockSpec((1, 8 * tt, 1), lambda bi, ti: (bi, ti, 0))] * 4,
        out_shape=[cand_f, cand_f, cand_i, cand_i],
        scratch_shapes=[
            pltpu.VMEM((8, w), jnp.float32),
            pltpu.VMEM((8 * tt, w), jnp.float32),
        ],
    )
    rmax, rm2, gi1, gi2 = s1(spk, n0)

    def to_tc(x):
        return x.reshape(nb, t_dim, 8).transpose(1, 0, 2).reshape(t_dim, nc)

    rmax_t, rm2_t, gi1_t, gi2_t = map(to_tc, (rmax, rm2, gi1, gi2))

    b2 = 4096 if n_dim % 4096 == 0 else n_dim
    nb2 = n_dim // b2
    cov_c = float(np.float32(2.0) / np.float32(n_dim))

    s2 = pl.pallas_call(
        functools.partial(_stage2_body, b2=b2, cov_c=cov_c),
        grid=(nt, nb2),
        in_specs=[pl.BlockSpec((tt, nc), lambda ti, jb: (ti, 0))] * 4,
        out_specs=[
            pl.BlockSpec((tt, b2), lambda ti, jb: (ti, jb)),
            pl.BlockSpec((tt, 1), lambda ti, jb: (ti, 0)),
        ],
        out_shape=[
            jax.ShapeDtypeStruct((t_dim, n_dim), jnp.float32),
            jax.ShapeDtypeStruct((t_dim, 1), jnp.float32),
        ],
    )
    mask, cov = s2(rmax_t, rm2_t, gi1_t, gi2_t)
    return mask, cov.reshape(t_dim)

# --- scband reference (transcript-rebuilt; emitter-appended) ---
"""Pipeline reference for scband-self-snn-87806311400116 (READ-ONLY COPY).

The authoritative reference and input builder live on the scoring server;
editing this copy changes nothing except your own understanding.
"""

import jax, jax.numpy as jnp
import numpy as np

T = 1024
N = 32768
DT_MS = 1.0
NMDA_TAU_MS = 100.0
IGNITE_THR = 0.58
WTA_INH = 0.85
K_SELECT = 2


def setup_inputs(seed: int = 0) -> dict:
    key = jax.random.key(seed)
    spikes = jax.random.uniform(key, (T, N), dtype=jnp.float32)
    nmda_state = jnp.zeros((N,), dtype=jnp.float32)  # registered buffer, init zeros
    return {"spikes": spikes, "nmda_state": nmda_state}


def reference(spikes, nmda_state):
    # Faithful translation of GlobalWorkspace.forward:
    #   nmda = (1-alpha)*nmda + alpha*s_t
    #   if nmda.max() < thr: coverage=0, row=0 (continue)
    #   else: topk(nmda*wta_inh, k); ignite_mask[t, idx]=1; coverage=row.mean()
    alpha = DT_MS / max(NMDA_TAU_MS, 1.0)
    n = spikes.shape[1]
    k = min(K_SELECT, n)

    def step(nmda, s_t):
        nmda = (1.0 - alpha) * nmda + alpha * s_t.astype(jnp.float32)
        ignited = nmda.max() >= IGNITE_THR
        scores = nmda * WTA_INH
        _, idx = jax.lax.top_k(scores, k)
        row = jnp.zeros((n,), dtype=jnp.float32).at[idx].set(1.0)
        row = jnp.where(ignited, row, jnp.zeros_like(row))
        cov = jnp.where(ignited, row.mean(), jnp.float32(0.0))
        return nmda, (row, cov)

    final_nmda, (ignite_mask, coverage) = jax.lax.scan(step, nmda_state, spikes)
    return ignite_mask, coverage


if False:  # reference __main__ guard neutralized (emitter)
    out = reference(**setup_inputs())
    print(out[0].shape, out[1].shape)

if __name__ == "__main__":
    import jax
    _d = setup_inputs()
    print(jax.jit(kernel)(*tuple(_d.values())))

</pallas_src>

<mosaic_0001>
module attributes {stable_mosaic.version = 14 : i64} {
  func.func @_stage1_body(%arg0: i32, %arg1: i32, %arg2: memref<256x1x8x512xf32, #tpu.memory_space<vmem>>, %arg3: memref<1x1x8x512xf32, #tpu.memory_space<vmem>>, %arg4: memref<1x2048x1xf32, #tpu.memory_space<vmem>>, %arg5: memref<1x2048x1xf32, #tpu.memory_space<vmem>>, %arg6: memref<1x2048x1xi32, #tpu.memory_space<vmem>>, %arg7: memref<1x2048x1xi32, #tpu.memory_space<vmem>>, %arg8: memref<8x512xf32, #tpu.memory_space<vmem>>, %arg9: memref<2048x512xf32, #tpu.memory_space<vmem>>) attributes {dimension_semantics = [#tpu.dimension_semantics<arbitrary>, #tpu.dimension_semantics<arbitrary>], iteration_bounds = array<i64: 8, 4>, scalar_prefetch = 0 : i64, scratch_operands = 2 : i64, tpu.core_type = #tpu.core_type<tc>, window_params = [{transform_indices = @transform_0, window_bounds = array<i64: 256, 1, 8, 512>}, {transform_indices = @transform_1, window_bounds = array<i64: 1, 1, 8, 512>}, {transform_indices = @transform_2, window_bounds = array<i64: 1, 2048, 1>}, {transform_indices = @transform_3, window_bounds = array<i64: 1, 2048, 1>}, {transform_indices = @transform_4, window_bounds = array<i64: 1, 2048, 1>}, {transform_indices = @transform_5, window_bounds = array<i64: 1, 2048, 1>}]} {
    %eq3A = arith.constant 0 : i32
    %eq3A_0 = arith.cmpi eq, %arg1, %eq3A : i32
    %convert_element_type3A = arith.extui %eq3A_0 : i1 to i32
    %cond3A = arith.constant 0 : i32
    %cond3A_1 = arith.cmpi ne, %convert_element_type3A, %cond3A : i32
    scf.if %cond3A_1 {
      %get3A_94 = arith.constant 0 : index
      %get3A_95 = arith.constant 0 : index
      %get3A_96 = arith.constant 0 : index
      %get3A_97 = arith.constant 0 : index
      %get3A_98 = vector.load %arg3[%get3A_94, %get3A_95, %get3A_96, %get3A_97] : memref<1x1x8x512xf32, #tpu.memory_space<vmem>>, vector<1x1x8x512xf32>
      %get3A_99 = vector.shape_cast %get3A_98 : vector<1x1x8x512xf32> to vector<8x512xf32>
      %swap3A_100 = arith.constant 0 : index
      %swap3A_101 = arith.constant 0 : index
      %swap3A_102 = vector.load %arg8[%swap3A_100, %swap3A_101] : memref<8x512xf32, #tpu.memory_space<vmem>>, vector<8x512xf32>
      tpu.vector_store %arg8[%swap3A_100, %swap3A_101], %get3A_99 {strides = array<i32>} : memref<8x512xf32, #tpu.memory_space<vmem>>, vector<8x512xf32>,
    } else {
    }
    %get3A = arith.constant 0 : index
    %get3A_2 = arith.constant 0 : index
    %get3A_3 = vector.load %arg8[%get3A, %get3A_2] : memref<8x512xf32, #tpu.memory_space<vmem>>, vector<8x512xf32>
    %scan3A = arith.constant 9.900000e-01 : f32
    %scan3A_4 = arith.constant 0.00999999977 : f32
    %scan3A_5 = arith.constant 0 : i32
    %scan3A_6 = arith.constant 256 : i32
    %scan3A_7 = arith.addi %scan3A_5, %scan3A_6 : i32
    %scan3A_8 = arith.constant 1 : i32
    %scan3A_9 = scf.for %scan3A_94 = %scan3A_5 to %scan3A_7 step %scan3A_8 iter_args(%scan3A_95 = %get3A_3) -> (vector<8x512xf32>)  : i32 {
      %get3A_96 = arith.index_cast %scan3A_94 : i32 to index
      %get3A_97 = arith.constant 0 : index
      %get3A_98 = arith.constant 0 : index
      %get3A_99 = arith.constant 0 : index
      %get3A_100 = vector.load %arg2[%get3A_96, %get3A_97, %get3A_98, %get3A_99] : memref<256x1x8x512xf32, #tpu.memory_space<vmem>>, vector<1x1x8x512xf32>
      %get3A_101 = vector.shape_cast %get3A_100 : vector<1x1x8x512xf32> to vector<8x512xf32>
      %mul3A_102 = vector.broadcast %scan3A : f32 to vector<8x512xf32>
      %mul3A_103 = arith.mulf %mul3A_102, %scan3A_95 : vector<8x512xf32>
      %mul3A_104 = vector.broadcast %scan3A_4 : f32 to vector<8x512xf32>
      %mul3A_105 = arith.mulf %mul3A_104, %get3A_101 : vector<8x512xf32>
      %add3A_106 = arith.addf %mul3A_103, %mul3A_105 : vector<8x512xf32>
      %mul3A_107 = arith.constant 8 : i32
      %mul3A_108 = arith.muli %scan3A_94, %mul3A_107 : i32
      %swap3A_109 = arith.index_cast %mul3A_108 : i32 to index
      %swap3A_110 = arith.constant 0 : index
      %swap3A_111 = vector.load %arg9[%swap3A_109, %swap3A_110] : memref<2048x512xf32, #tpu.memory_space<vmem>>, vector<8x512xf32>
      tpu.vector_store %arg9[%swap3A_109, %swap3A_110], %add3A_106 {strides = array<i32>} : memref<2048x512xf32, #tpu.memory_space<vmem>>, vector<8x512xf32>,
      scf.yield %add3A_106 : vector<8x512xf32>
    }
    %scan3A_10 = arith.constant 256 : i32
    %swap3A = arith.constant 0 : index
    %swap3A_11 = arith.constant 0 : index
    %swap3A_12 = vector.load %arg8[%swap3A, %swap3A_11] : memref<8x512xf32, #tpu.memory_space<vmem>>, vector<8x512xf32>
    tpu.vector_store %arg8[%swap3A, %swap3A_11], %scan3A_9 {strides = array<i32>} : memref<8x512xf32, #tpu.memory_space<vmem>>, vector<8x512xf32>,
    %get3A_13 = arith.constant 0 : index
    %get3A_14 = arith.constant 0 : index
    %get3A_15 = vector.load %arg9[%get3A_13, %get3A_14] : memref<2048x512xf32, #tpu.memory_space<vmem>>, vector<2048x512xf32>
    %reduce_max3A = arith.constant dense<0xFF800000> : vector<2048xf32>
    %reduce_max3A_16 = vector.multi_reduction <maximumf>, %get3A_15, %reduce_max3A [1] : vector<2048x512xf32> to vector<2048xf32>
    %broadcast_in_dim3A = vector.shape_cast %reduce_max3A_16 : vector<2048xf32> to vector<2048x1xf32>
    %mul3A = arith.constant 8.500000e-01 : f32
    %mul3A_17 = vector.broadcast %mul3A : f32 to vector<2048x1xf32>
    %mul3A_18 = arith.mulf %mul3A_17, %broadcast_in_dim3A : vector<2048x1xf32>
    %mul3A_19 = arith.constant 8.500000e-01 : f32
    %mul3A_20 = vector.broadcast %mul3A_19 : f32 to vector<2048x512xf32>
    %mul3A_21 = arith.mulf %get3A_15, %mul3A_20 : vector<2048x512xf32>
    %iota3A = tpu.iota {dimensions = array<i32: 1>} : vector<2048x512xi32>
    %eq3A_22 = vector.broadcast %mul3A_18 : vector<2048x1xf32> to vector<2048x512xf32>
    %eq3A_23 = arith.cmpf oeq, %mul3A_21, %eq3A_22 : vector<2048x512xf32>
    %jit3A = arith.constant 1073741823 : i32
    %broadcast_in_dim3A_24 = vector.broadcast %jit3A : i32 to vector<2048x512xi32>
    %select_n3A = arith.select %eq3A_23, %iota3A, %broadcast_in_dim3A_24 : vector<2048x512xi1>, vector<2048x512xi32>
    %reduce_min3A = arith.constant dense<2147483647> : vector<2048xi32>
    %reduce_min3A_25 = vector.multi_reduction <minsi>, %select_n3A, %reduce_min3A [1] : vector<2048x512xi32> to vector<2048xi32>
    %broadcast_in_dim3A_26 = vector.shape_cast %reduce_min3A_25 : vector<2048xi32> to vector<2048x1xi32>
    %ne3A = vector.broadcast %broadcast_in_dim3A_26 : vector<2048x1xi32> to vector<2048x512xi32>
    %ne3A_27 = arith.cmpi ne, %iota3A, %ne3A : vector<2048x512xi32>
    %jit3A_28 = arith.constant 0xFF800000 : f32
    %broadcast_in_dim3A_29 = vector.broadcast %jit3A_28 : f32 to vector<2048x512xf32>
    %select_n3A_30 = arith.select %ne3A_27, %mul3A_21, %broadcast_in_dim3A_29 : vector<2048x512xi1>, vector<2048x512xf32>
    %reduce_max3A_31 = arith.constant dense<0xFF800000> : vector<2048xf32>
    %reduce_max3A_32 = vector.multi_reduction <maximumf>, %select_n3A_30, %reduce_max3A_31 [1] : vector<2048x512xf32> to vector<2048xf32>
    %broadcast_in_dim3A_33 = vector.shape_cast %reduce_max3A_32 : vector<2048xf32> to vector<2048x1xf32>
    %eq3A_34 = vector.broadcast %broadcast_in_dim3A_33 : vector<2048x1xf32> to vector<2048x512xf32>
    %eq3A_35 = arith.cmpf oeq, %select_n3A_30, %eq3A_34 : vector<2048x512xf32>
    %jit3A_36 = arith.constant 1073741823 : i32
    %broadcast_in_dim3A_37 = vector.broadcast %jit3A_36 : i32 to vector<2048x512xi32>
    %select_n3A_38 = arith.select %eq3A_35, %iota3A, %broadcast_in_dim3A_37 : vector<2048x512xi1>, vector<2048x512xi32>
    %reduce_min3A_39 = arith.constant dense<2147483647> : vector<2048xi32>
    %reduce_min3A_40 = vector.multi_reduction <minsi>, %select_n3A_38, %reduce_min3A_39 [1] : vector<2048x512xi32> to vector<2048xi32>
    %broadcast_in_dim3A_41 = vector.shape_cast %reduce_min3A_40 : vector<2048xi32> to vector<2048x1xi32>
    %iota3A_42 = tpu.iota {dimensions = array<i32: 0>} : vector<2048x1xi32>
    %jit3A_43 = arith.constant 8 : i32
    %eq3A_44 = arith.constant 0 : i32
    %eq3A_45 = arith.cmpi eq, %jit3A_43, %eq3A_44 : i32
    %jit3A_46 = arith.constant 1 : i32
    %select_n3A_47 = arith.select %eq3A_45, %jit3A_46, %jit3A_43 : i32
    %rem3A = vector.broadcast %select_n3A_47 : i32 to vector<2048x1xi32>
    %rem3A_48 = arith.remsi %iota3A_42, %rem3A : vector<2048x1xi32>
    %ne3A_49 = arith.constant 0 : i32
    %ne3A_50 = vector.broadcast %ne3A_49 : i32 to vector<2048x1xi32>
    %ne3A_51 = arith.cmpi ne, %rem3A_48, %ne3A_50 : vector<2048x1xi32>
    %lt3A = arith.constant 0 : i32
    %lt3A_52 = vector.broadcast %lt3A : i32 to vector<2048x1xi32>
    %lt3A_53 = arith.cmpi slt, %rem3A_48, %lt3A_52 : vector<2048x1xi32>
    %lt3A_54 = arith.constant 0 : i32
    %lt3A_55 = arith.cmpi slt, %select_n3A_47, %lt3A_54 : i32
    %ne3A_56 = vector.broadcast %lt3A_55 : i1 to vector<2048x1xi1>
    %ne3A_57 = vector.broadcast %ne3A_56 : vector<2048x1xi1> to vector<2048x1xi1>
    %ne3A_58 = arith.xori %lt3A_53, %ne3A_57 : vector<2048x1xi1>
    %and3A = arith.andi %ne3A_58, %ne3A_51 : vector<2048x1xi1>
    %add3A = vector.broadcast %select_n3A_47 : i32 to vector<2048x1xi32>
    %add3A_59 = arith.addi %rem3A_48, %add3A : vector<2048x1xi32>
    %select_n3A_60 = arith.select %and3A, %add3A_59, %rem3A_48 : vector<2048x1xi1>, vector<2048x1xi32>
    %mul3A_61 = arith.constant 4096 : i32
    %mul3A_62 = arith.muli %arg0, %mul3A_61 : i32
    %mul3A_63 = arith.constant 512 : i32
    %mul3A_64 = vector.broadcast %mul3A_63 : i32 to vector<2048x1xi32>
    %mul3A_65 = arith.muli %select_n3A_60, %mul3A_64 : vector<2048x1xi32>
    %add3A_66 = vector.broadcast %mul3A_62 : i32 to vector<2048x1xi32>
    %add3A_67 = arith.addi %add3A_66, %mul3A_65 : vector<2048x1xi32>
    %swap3A_68 = arith.constant 0 : index
    %swap3A_69 = arith.constant 0 : index
    %swap3A_70 = arith.constant 0 : index
    %swap3A_71 = vector.load %arg4[%swap3A_68, %swap3A_69, %swap3A_70] : memref<1x2048x1xf32, #tpu.memory_space<vmem>>, vector<1x2048x1xf32>
    %swap3A_72 = vector.shape_cast %swap3A_71 : vector<1x2048x1xf32> to vector<2048x1xf32>
    %swap3A_73 = vector.shape_cast %broadcast_in_dim3A : vector<2048x1xf32> to vector<1x2048x1xf32>
    tpu.vector_store %arg4[%swap3A_68, %swap3A_69, %swap3A_70], %swap3A_73 {strides = array<i32>} : memref<1x2048x1xf32, #tpu.memory_space<vmem>>, vector<1x2048x1xf32>,
    %swap3A_74 = arith.constant 0 : index
    %swap3A_75 = arith.constant 0 : index
    %swap3A_76 = arith.constant 0 : index
    %swap3A_77 = vector.load %arg5[%swap3A_74, %swap3A_75, %swap3A_76] : memref<1x2048x1xf32, #tpu.memory_space<vmem>>, vector<1x2048x1xf32>
    %swap3A_78 = vector.shape_cast %swap3A_77 : vector<1x2048x1xf32> to vector<2048x1xf32>
    %swap3A_79 = vector.shape_cast %broadcast_in_dim3A_33 : vector<2048x1xf32> to vector<1x2048x1xf32>
    tpu.vector_store %arg5[%swap3A_74, %swap3A_75, %swap3A_76], %swap3A_79 {strides = array<i32>} : memref<1x2048x1xf32, #tpu.memory_space<vmem>>, vector<1x2048x1xf32>,
    %add3A_80 = arith.addi %add3A_67, %broadcast_in_dim3A_26 : vector<2048x1xi32>
    %swap3A_81 = arith.constant 0 : index
    %swap3A_82 = arith.constant 0 : index
    %swap3A_83 = arith.constant 0 : index
    %swap3A_84 = vector.load %arg6[%swap3A_81, %swap3A_82, %swap3A_83] : memref<1x2048x1xi32, #tpu.memory_space<vmem>>, vector<1x2048x1xi32>
    %swap3A_85 = vector.shape_cast %swap3A_84 : vector<1x2048x1xi32> to vector<2048x1xi32>
    %swap3A_86 = vector.shape_cast %add3A_80 : vector<2048x1xi32> to vector<1x2048x1xi32>
    tpu.vector_store %arg6[%swap3A_81, %swap3A_82, %swap3A_83], %swap3A_86 {strides = array<i32>} : memref<1x2048x1xi32, #tpu.memory_space<vmem>>, vector<1x2048x1xi32>,
    %add3A_87 = arith.addi %add3A_67, %broadcast_in_dim3A_41 : vector<2048x1xi32>
    %swap3A_88 = arith.constant 0 : index
    %swap3A_89 = arith.constant 0 : index
    %swap3A_90 = arith.constant 0 : index
    %swap3A_91 = vector.load %arg7[%swap3A_88, %swap3A_89, %swap3A_90] : memref<1x2048x1xi32, #tpu.memory_space<vmem>>, vector<1x2048x1xi32>
    %swap3A_92 = vector.shape_cast %swap3A_91 : vector<1x2048x1xi32> to vector<2048x1xi32>
    %swap3A_93 = vector.shape_cast %add3A_87 : vector<2048x1xi32> to vector<1x2048x1xi32>
    tpu.vector_store %arg7[%swap3A_88, %swap3A_89, %swap3A_90], %swap3A_93 {strides = array<i32>} : memref<1x2048x1xi32, #tpu.memory_space<vmem>>, vector<1x2048x1xi32>,
    return
  }
  func.func @transform_0(%arg0: i32, %arg1: i32) -> (i32, i32, i32, i32) {
    %c0_i32 = arith.constant 0 : i32
    %c0_i32_0 = arith.constant 0 : i32
    %c0_i32_1 = arith.constant 0 : i32
    return %arg1, %arg0, %c0_i32, %c0_i32_0 : i32, i32, i32, i32
  }
  func.func @transform_1(%arg0: i32, %arg1: i32) -> (i32, i32, i32, i32) {
    %c0_i32 = arith.constant 0 : i32
    %c0_i32_0 = arith.constant 0 : i32
    %c0_i32_1 = arith.constant 0 : i32
    %c0_i32_2 = arith.constant 0 : i32
    return %arg0, %c0_i32, %c0_i32_0, %c0_i32_1 : i32, i32, i32, i32
  }
  func.func @transform_2(%arg0: i32, %arg1: i32) -> (i32, i32, i32) {
    %c0_i32 = arith.constant 0 : i32
    %c0_i32_0 = arith.constant 0 : i32
    return %arg0, %arg1, %c0_i32 : i32, i32, i32
  }
  func.func @transform_3(%arg0: i32, %arg1: i32) -> (i32, i32, i32) {
    %c0_i32 = arith.constant 0 : i32
    %c0_i32_0 = arith.constant 0 : i32
    return %arg0, %arg1, %c0_i32 : i32, i32, i32
  }
  func.func @transform_4(%arg0: i32, %arg1: i32) -> (i32, i32, i32) {
    %c0_i32 = arith.constant 0 : i32
    %c0_i32_0 = arith.constant 0 : i32
    return %arg0, %arg1, %c0_i32 : i32, i32, i32
  }
  func.func @transform_5(%arg0: i32, %arg1: i32) -> (i32, i32, i32) {
    %c0_i32 = arith.constant 0 : i32
    %c0_i32_0 = arith.constant 0 : i32
    return %arg0, %arg1, %c0_i32 : i32, i32, i32
  }
}

module attributes {stable_mosaic.version = 14 : i64} {
  func.func @_stage2_body(%arg0: i32, %arg1: i32, %arg2: memref<256x64xf32, #tpu.memory_space<vmem>>, %arg3: memref<256x64xf32, #tpu.memory_space<vmem>>, %arg4: memref<256x64xi32, #tpu.memory_space<vmem>>, %arg5: memref<256x64xi32, #tpu.memory_space<vmem>>, %arg6: memref<256x4096xf32, #tpu.memory_space<vmem>>, %arg7: memref<256x1xf32, #tpu.memory_space<vmem>>) attributes {dimension_semantics = [#tpu.dimension_semantics<arbitrary>, #tpu.dimension_semantics<arbitrary>], iteration_bounds = array<i64: 4, 8>, scalar_prefetch = 0 : i64, scratch_operands = 0 : i64, tpu.core_type = #tpu.core_type<tc>, window_params = [{transform_indices = @transform_0, window_bounds = array<i64: 256, 64>}, {transform_indices = @transform_1, window_bounds = array<i64: 256, 64>}, {transform_indices = @transform_2, window_bounds = array<i64: 256, 64>}, {transform_indices = @transform_3, window_bounds = array<i64: 256, 64>}, {transform_indices = @transform_4, window_bounds = array<i64: 256, 4096>}, {transform_indices = @transform_5, window_bounds = array<i64: 256, 1>}]} {
    %get3A = arith.constant 0 : index
    %get3A_0 = arith.constant 0 : index
    %get3A_1 = vector.load %arg2[%get3A, %get3A_0] : memref<256x64xf32, #tpu.memory_space<vmem>>, vector<256x64xf32>
    %get3A_2 = arith.constant 0 : index
    %get3A_3 = arith.constant 0 : index
    %get3A_4 = vector.load %arg3[%get3A_2, %get3A_3] : memref<256x64xf32, #tpu.memory_space<vmem>>, vector<256x64xf32>
    %get3A_5 = arith.constant 0 : index
    %get3A_6 = arith.constant 0 : index
    %get3A_7 = vector.load %arg4[%get3A_5, %get3A_6] : memref<256x64xi32, #tpu.memory_space<vmem>>, vector<256x64xi32>
    %get3A_8 = arith.constant 0 : index
    %get3A_9 = arith.constant 0 : index
    %get3A_10 = vector.load %arg5[%get3A_8, %get3A_9] : memref<256x64xi32, #tpu.memory_space<vmem>>, vector<256x64xi32>
    %reduce_max3A = arith.constant dense<0xFF800000> : vector<256xf32>
    %reduce_max3A_11 = vector.multi_reduction <maximumf>, %get3A_1, %reduce_max3A [1] : vector<256x64xf32> to vector<256xf32>
    %broadcast_in_dim3A = vector.shape_cast %reduce_max3A_11 : vector<256xf32> to vector<256x1xf32>
    %ge3A = arith.constant 5.800000e-01 : f32
    %ge3A_12 = vector.broadcast %ge3A : f32 to vector<256x1xf32>
    %ge3A_13 = arith.cmpf oge, %broadcast_in_dim3A, %ge3A_12 : vector<256x1xf32>
    %mul3A = arith.constant 8.500000e-01 : f32
    %mul3A_14 = vector.broadcast %mul3A : f32 to vector<256x64xf32>
    %mul3A_15 = arith.mulf %get3A_1, %mul3A_14 : vector<256x64xf32>
    %mul3A_16 = arith.constant 8.500000e-01 : f32
    %mul3A_17 = vector.broadcast %mul3A_16 : f32 to vector<256x1xf32>
    %mul3A_18 = arith.mulf %broadcast_in_dim3A, %mul3A_17 : vector<256x1xf32>
    %eq3A = vector.broadcast %mul3A_18 : vector<256x1xf32> to vector<256x64xf32>
    %eq3A_19 = arith.cmpf oeq, %mul3A_15, %eq3A : vector<256x64xf32>
    %jit3A = arith.constant 1073741823 : i32
    %broadcast_in_dim3A_20 = vector.broadcast %jit3A : i32 to vector<256x64xi32>
    %select_n3A = arith.select %eq3A_19, %get3A_7, %broadcast_in_dim3A_20 : vector<256x64xi1>, vector<256x64xi32>
    %reduce_min3A = arith.constant dense<2147483647> : vector<256xi32>
    %reduce_min3A_21 = vector.multi_reduction <minsi>, %select_n3A, %reduce_min3A [1] : vector<256x64xi32> to vector<256xi32>
    %broadcast_in_dim3A_22 = vector.shape_cast %reduce_min3A_21 : vector<256xi32> to vector<256x1xi32>
    %eq3A_23 = vector.broadcast %broadcast_in_dim3A_22 : vector<256x1xi32> to vector<256x64xi32>
    %eq3A_24 = arith.cmpi eq, %get3A_7, %eq3A_23 : vector<256x64xi32>
    %jit3A_25 = arith.constant 0xFF800000 : f32
    %broadcast_in_dim3A_26 = vector.broadcast %jit3A_25 : f32 to vector<256x64xf32>
    %select_n3A_27 = arith.select %eq3A_24, %broadcast_in_dim3A_26, %mul3A_15 : vector<256x64xi1>, vector<256x64xf32>
    %reduce_max3A_28 = arith.constant dense<0xFF800000> : vector<256xf32>
    %reduce_max3A_29 = vector.multi_reduction <maximumf>, %select_n3A_27, %reduce_max3A_28 [1] : vector<256x64xf32> to vector<256xf32>
    %broadcast_in_dim3A_30 = vector.shape_cast %reduce_max3A_29 : vector<256xf32> to vector<256x1xf32>
    %reduce_max3A_31 = arith.constant dense<0xFF800000> : vector<256xf32>
    %reduce_max3A_32 = vector.multi_reduction <maximumf>, %get3A_4, %reduce_max3A_31 [1] : vector<256x64xf32> to vector<256xf32>
    %broadcast_in_dim3A_33 = vector.shape_cast %reduce_max3A_32 : vector<256xf32> to vector<256x1xf32>
    %max3A = arith.maximumf %broadcast_in_dim3A_30, %broadcast_in_dim3A_33 : vector<256x1xf32>
    %eq3A_34 = vector.broadcast %max3A : vector<256x1xf32> to vector<256x64xf32>
    %eq3A_35 = arith.cmpf oeq, %select_n3A_27, %eq3A_34 : vector<256x64xf32>
    %jit3A_36 = arith.constant 1073741823 : i32
    %broadcast_in_dim3A_37 = vector.broadcast %jit3A_36 : i32 to vector<256x64xi32>
    %select_n3A_38 = arith.select %eq3A_35, %get3A_7, %broadcast_in_dim3A_37 : vector<256x64xi1>, vector<256x64xi32>
    %reduce_min3A_39 = arith.constant dense<2147483647> : vector<256xi32>
    %reduce_min3A_40 = vector.multi_reduction <minsi>, %select_n3A_38, %reduce_min3A_39 [1] : vector<256x64xi32> to vector<256xi32>
    %broadcast_in_dim3A_41 = vector.shape_cast %reduce_min3A_40 : vector<256xi32> to vector<256x1xi32>
    %eq3A_42 = vector.broadcast %max3A : vector<256x1xf32> to vector<256x64xf32>
    %eq3A_43 = arith.cmpf oeq, %get3A_4, %eq3A_42 : vector<256x64xf32>
    %jit3A_44 = arith.constant 1073741823 : i32
    %broadcast_in_dim3A_45 = vector.broadcast %jit3A_44 : i32 to vector<256x64xi32>
    %select_n3A_46 = arith.select %eq3A_43, %get3A_10, %broadcast_in_dim3A_45 : vector<256x64xi1>, vector<256x64xi32>
    %reduce_min3A_47 = arith.constant dense<2147483647> : vector<256xi32>
    %reduce_min3A_48 = vector.multi_reduction <minsi>, %select_n3A_46, %reduce_min3A_47 [1] : vector<256x64xi32> to vector<256xi32>
    %broadcast_in_dim3A_49 = vector.shape_cast %reduce_min3A_48 : vector<256xi32> to vector<256x1xi32>
    %min3A = arith.minsi %broadcast_in_dim3A_41, %broadcast_in_dim3A_49 : vector<256x1xi32>
    %jit3A_50 = arith.constant -1 : i32
    %broadcast_in_dim3A_51 = vector.broadcast %jit3A_50 : i32 to vector<256x1xi32>
    %select_n3A_52 = arith.select %ge3A_13, %broadcast_in_dim3A_22, %broadcast_in_dim3A_51 : vector<256x1xi1>, vector<256x1xi32>
    %jit3A_53 = arith.constant -1 : i32
    %broadcast_in_dim3A_54 = vector.broadcast %jit3A_53 : i32 to vector<256x1xi32>
    %select_n3A_55 = arith.select %ge3A_13, %min3A, %broadcast_in_dim3A_54 : vector<256x1xi1>, vector<256x1xi32>
    %iota3A = tpu.iota {dimensions = array<i32: 1>} : vector<256x4096xi32>
    %mul3A_56 = arith.constant 4096 : i32
    %mul3A_57 = arith.muli %arg1, %mul3A_56 : i32
    %add3A = vector.broadcast %mul3A_57 : i32 to vector<256x4096xi32>
    %add3A_58 = arith.addi %iota3A, %add3A : vector<256x4096xi32>
    %eq3A_59 = vector.broadcast %select_n3A_52 : vector<256x1xi32> to vector<256x4096xi32>
    %eq3A_60 = arith.cmpi eq, %add3A_58, %eq3A_59 : vector<256x4096xi32>
    %eq3A_61 = vector.broadcast %select_n3A_55 : vector<256x1xi32> to vector<256x4096xi32>
    %eq3A_62 = arith.cmpi eq, %add3A_58, %eq3A_61 : vector<256x4096xi32>
    %or3A = arith.ori %eq3A_60, %eq3A_62 : vector<256x4096xi1>
    %convert_element_type3A = arith.extui %or3A : vector<256x4096xi1> to vector<256x4096xi32>
    %convert_element_type3A_63 = arith.sitofp %convert_element_type3A : vector<256x4096xi32> to vector<256x4096xf32>
    %swap3A = arith.constant 0 : index
    %swap3A_64 = arith.constant 0 : index
    %swap3A_65 = vector.load %arg6[%swap3A, %swap3A_64] : memref<256x4096xf32, #tpu.memory_space<vmem>>, vector<256x4096xf32>
    tpu.vector_store %arg6[%swap3A, %swap3A_64], %convert_element_type3A_63 {strides = array<i32>} : memref<256x4096xf32, #tpu.memory_space<vmem>>, vector<256x4096xf32>,
    %eq3A_66 = arith.constant 0 : i32
    %eq3A_67 = arith.cmpi eq, %arg1, %eq3A_66 : i32
    %convert_element_type3A_68 = arith.extui %eq3A_67 : i1 to i32
    %cond3A = arith.constant 0 : i32
    %cond3A_69 = arith.cmpi ne, %convert_element_type3A_68, %cond3A : i32
    scf.if %cond3A_69 {
      %jit3A_70 = arith.constant 6.10351563E-5 : f32
      %jit3A_71 = arith.constant 0.000000e+00 : f32
      %broadcast_in_dim3A_72 = vector.broadcast %jit3A_70 : f32 to vector<256x1xf32>
      %broadcast_in_dim3A_73 = vector.broadcast %jit3A_71 : f32 to vector<256x1xf32>
      %select_n3A_74 = arith.select %ge3A_13, %broadcast_in_dim3A_72, %broadcast_in_dim3A_73 : vector<256x1xi1>, vector<256x1xf32>
      %swap3A_75 = arith.constant 0 : index
      %swap3A_76 = arith.constant 0 : index
      %swap3A_77 = vector.load %arg7[%swap3A_75, %swap3A_76] : memref<256x1xf32, #tpu.memory_space<vmem>>, vector<256x1xf32>
      tpu.vector_store %arg7[%swap3A_75, %swap3A_76], %select_n3A_74 {strides = array<i32>} : memref<256x1xf32, #tpu.memory_space<vmem>>, vector<256x1xf32>,
    } else {
    }
    return
  }
  func.func @transform_0(%arg0: i32, %arg1: i32) -> (i32, i32) {
    %c0_i32 = arith.constant 0 : i32
    %c0_i32_0 = arith.constant 0 : i32
    return %arg0, %c0_i32 : i32, i32
  }
  func.func @transform_1(%arg0: i32, %arg1: i32) -> (i32, i32) {
    %c0_i32 = arith.constant 0 : i32
    %c0_i32_0 = arith.constant 0 : i32
    return %arg0, %c0_i32 : i32, i32
  }
  func.func @transform_2(%arg0: i32, %arg1: i32) -> (i32, i32) {
    %c0_i32 = arith.constant 0 : i32
    %c0_i32_0 = arith.constant 0 : i32
    return %arg0, %c0_i32 : i32, i32
  }
  func.func @transform_3(%arg0: i32, %arg1: i32) -> (i32, i32) {
    %c0_i32 = arith.constant 0 : i32
    %c0_i32_0 = arith.constant 0 : i32
    return %arg0, %c0_i32 : i32, i32
  }
  func.func @transform_4(%arg0: i32, %arg1: i32) -> (i32, i32) {
    %c0_i32 = arith.constant 0 : i32
    return %arg0, %arg1 : i32, i32
  }
  func.func @transform_5(%arg0: i32, %arg1: i32) -> (i32, i32) {
    %c0_i32 = arith.constant 0 : i32
    %c0_i32_0 = arith.constant 0 : i32
    return %arg0, %c0_i32 : i32, i32
  }
}

</mosaic_0001>

<sc_bundles>
// kernel: sparse-core-data-format-call.cloned.1.call-start
scs
called_computation_lowered:
.L_overlay_start_0:
0x0: {  	s2 =	sld [smem:$0x3FD9]  }
0x1: {  	s3 =	sld [smem:$0x3FFE];
	_ =	sdelay $0x1  }
0x2: {  	s1 =	srdreg.scid  }
0x3: {  	s0 =	sand.u32 $0x1, s1  }
0x4: {  	s16 =	sshll.u32 s0, $0xA;
	s2 =	sadd.s32 s3, s2  }
0x5: {  	s2 =	sadd.s32 s2, s16  }
0x6: {  	[smem:$0x3FC6] =	sst s2  }
0x7: {  	_ = 	snop  }
0x8: {  	s2 =	sld [smem:$0x3FD0];
	_ =	sdelay $0x2  }
0x9: {  	s4 =	simm.s32 $0xA;
	s5 =	simm.s32 $0x10;
	s17 =	sld [smem:$0x3FC9]  }
0xa: {  	[smem:s5], [sflag:s4] =	dma.local [hbm:s2], $0x1  }
0xb: {  	_ =	swait.eq [sflag:s4], $0x1  }
0xc: {  	[sflag:s4] =	ssyncset.done $0x0  }
0xd: {  	[sflag:s4] =	ssyncadd.s32 $0xFFFFFFFF  }
0xe: {  	s18 =	sld [smem:$0x10];
	(tm) =	ssettm $0x1  }
0xf: {  	s19 =	sld [smem:$0x3FFB];
	_ =	sdelay $0x3  }
0x10: {  	_ =	strace s19  }
0x11: {  	s4 =	sld [smem:$0x3FFC];
	_ =	sdelay $0x3  }
0x12: {  	_ =	strace s4  }
0x13: {  	s4 =	sld [smem:$0x3FFD];
	_ =	sdelay $0x3  }
0x14: {  	_ =	strace s4  }
0x15: {  	_ =	strace $0x8FFFFFFF  }
0x16: {  	s20 =	sld [smem:$0x3FDB];
	_ =	sdelay $0x1  }
0x17: {  	s21 =	simm.s32 $_scs_section_size  }
0x18: {  	s6 =	simm.s32 $_size__tile_overlayer_lowered;
	s7 =	simm.s32 $_tile_overlayer_lowered  }
0x19: {  	s24 =	simm.s32 $0x1BFF;
	s23 =	sshll.u32 s7, $0x1;
	s4 =	sadd.s32 s21, s20  }
0x1a: {  	s8 =	simm.s32 $0x0;
	s22 =	sshll.u32 s6, $0x1;
	s6 =	sadd.s32 s23, s4  }
0x1b: {  	[timem:s8], [sflag:s24] =	dma.local [hbm:s6], s22  }
0x1c: {  	_ =	swait.ge [sflag:s24], s22  }
0x1d: {  	s5 =	ssub.s32 $0x0, s22;
	[sflag:s24] =	ssyncset.done $0x0  }
0x1e: {  	[sflag:s24] =	ssyncadd.s32 s5;
	_ =	sdelay $0x1  }
0x1f: {  	s25 =	simm.s32 $0x1B8B  }
0x20: {  	_ =	swait.ge [sflag:s25], $0x1  }
0x21: {  	[sflag:s25] =	ssyncset.done $0x0  }
0x22: {  	s26 =	simm.s32 $0x1B8E;
	[sflag:s25] =	ssyncadd.s32 $0xFFFFFFFF  }
0x23: {  	s27 =	simm.s32 $execute0_lowered;
	[smem:$0x3FD2] =	sst s26  }
0x24: {  	s5 =	sshll.u32 s27, $0x1;
	_ =	strace $0x80000046;
	[dreg:$0x1] =	wrdreg $0xFFFFFFFF  }
0x25: {  	s28 =	simm.s32 $_size_execute0_lowered;
	s4 =	sadd.s32 s4, s5;
	[dreg:$0x0] =	wrdreg $0x0  }
0x26: {  	s5 =	sshll.u32 s28, $0x1;
	[dreg:$0x2] =	wrdreg s4  }
0x27: {  	[dreg:$0x3] =	wrdreg s5  }
0x28: {  	[dreg:$0x4] =	wrdreg $0xC0  }
0x29: {  	_ =	task [dreg:s8], $0x5FFFF  }
0x2a: {  	[dreg:$0x1] =	wrdreg $0xFFFFFFFF  }
0x2b: {  	[dreg:$0x0] =	wrdreg $0x60  }
0x2c: {  	[dreg:$0x2] =	wrdreg s17  }
0x2d: {  	[dreg:$0x3] =	wrdreg s18  }
0x2e: {  	[dreg:$0x4] =	wrdreg $0x9  }
0x2f: {  	_ =	task.clear_ibuf [dreg:s8], $0x5FFFF;
	_ =	strace $0x90000046  }
0x30: {  	s29 =	simm.s32 $0x9;
	_ =	strace $0x80000048  }
0x31: {  	_ =	swait.ge [sflag:s29], $0x1  }
0x32: {  	[sflag:s29] =	ssyncadd.s32 $0xFFFFFFFF  }
0x33: {  	_ =	strace $0x90000048  }
0x34: {  	_ =	sfence  }
0x35: {  	s30 =	sld [smem:$0x0];
	_ =	sdelay $0x2  }
0x36: {  	s31 =	sshll.u32 s1, $0xD;
	s1 =	sshrl.u32 s1, $0x2  }
0x37: {  	s3 =	sand.u32 $0x4000, s31;
	s1 =	sadd.s32 s1, s30  }
0x38: {  	s0 =	sor.u32 s3, s0;
	s1 =	sshll.u32 s1, $0x11  }
0x39: {  	s0 =	sor.u32 s1, s0  }
0x3a: {  	s0 =	sadd.s32 $0x8F2B, s0  }
0x3b: {  	[sflag:s0] =	ssyncadd.remote.s32 $0x1  }
0x3c: {  	_ =	sfence.sel $0xFFFF  }
0x3d: {  	[dreg:$0x0] =	wrdreg $0xFFFFFFFF;
	(pc) =	sbr.abs _section_cstart, $3  }
0x3e: {  	[dreg:$0x1] =	wrdreg $0xFFFFFFFF  }
0x3f: {  	_ =	task.clear_ibuf [dreg:s8], $0x2FFFF;
	_ =	strace $0x9FFFFFFF  }
0x40: {  	(tm) =	ssettm $0x7FFFFFFF  }
0x41: {  	_ =	shalt  }
tec
execute0_lowered:
.L_overlay_start_1:
0x0: {  	(tag) =	ssettag $0x1  }
0x1: {  	s2 =	rddreg [dreg:$0x0]  }
0x2: {  	s3 =	rddreg [dreg:$0x1]  }
0x3: {  	s0 =	rddreg [dreg:$0x2];
	_ =	strace $0x80000047  }
0x4: {  	s4 =	srdreg.scid;
	s1 =	stileid.u32;
	s6 =	simm.s32 $0x2  }
0x5: {  	s12 =	simm.s32 $0x0;
	p0 =	por $0x0, $0x0;
	s13 =	simm.s32 $0x0  }
.Ltmp0:
0x6: {  	s15 =	simm.s32 $0x0;
	s14 =	simm.s32 $0x0;
	(pc) =	sbr.rel .LBB1_1-.Ltmp0, $4  }
0x7: {  	s8 =	simm.s32 $0x0;
	s9 =	simm.s32 $0x0;
	s5 =	sshll.u32 s4, $0x4  }
0x8: {  	s10 =	simm.s32 $0x0;
	s4 =	simm.s32 $0x1;
	s5 =	sand.u32 $0x10, s5  }
0x9: {  	s7 =	simm.s32 $0x0;
	[sflag:s4] =	ssyncpa.u1 $0x0;
	s5 =	sor.u32 s1, s5  }
0xa: {  	[sflag:s6] =	ssyncpa.u1 $0x0;
	s6 =	simm.s32 $0x8000;
	s11 =	smov.u32 s5  }
.LBB1_7:
0xb: {  	s16 =	sadd.s32 $0x100, s8  }
0xc: {  	s12 =	sadd.s32 $0x8, s9;
	s17 =	smov.u32 s9;
	p2 =	sgt.s32 s16, $0x1FF  }
0xd: {  	s17 =	smov.u32 @p2 s12  }
0xe: {  	s18 =	smov.u32 s10;
	s12 =	sadd.s32 $0x8, s10;
	p3 =	sgt.s32 s17, $0x7  }
0xf: {  	s18 =	smov.u32 @p3 s12  }
0x10: {  	s19 =	smov.u32 s11;
	s12 =	sadd.s32 $0x20, s11;
	p4 =	sgt.s32 s18, $0x3F  }
0x11: {  	p1 =	slt.u32 s7, $0x2;
	s19 =	smov.u32 @p4 s12  }
0x12: {  	s7 =	sadd.s32 $0x1, s7;
	s16 =	simm.s32 @p2 $0x0;
	p2 =	sgt.s32 s19, $0x7F  }
0x13: {  	s20 =	simm.s32 @!p1 $0x2;
	s19 =	smov.u32 @p2 s5;
	p2 =	sne.s32 s7, $0x42  }
.Ltmp1:
0x14: {  	s13 =	smov.u32 s9;
	_ =	swait.ge @!p1 [sflag:s20], $0x4000;
	(pc) =	sbr.rel @!p2 .LBB1_8-.Ltmp1, $4  }
0x15: {  	s15 =	smov.u32 s10;
	s14 =	smov.u32 s11;
	[sflag:s20] =	ssyncset.done @!p1 $0x0  }
0x16: {  	p0 =	por !p0, !p0;
	s17 =	simm.s32 @p3 $0x0;
	[sflag:s20] =	ssyncadd.s32 @!p1 $0xFFFFC000  }
0x17: {  	s9 =	smov.u32 s17;
	s18 =	simm.s32 @p4 $0x0;
	s12 =	smov.u32 s8  }
0x18: {  	s8 =	smov.u32 s16;
	s10 =	smov.u32 s18;
	s11 =	smov.u32 s19  }
.LBB1_1:
0x19: {  	p1 =	sgt.u32 s7, $0x3F  }
0x1a: {  	s16 =	sxor.u32 @!p1 $0xFFFFFFFF, s7;
	s17 =	sshll.u32 @!p1 s8, $0x3  }
0x1b: {  	s18 =	sshll.u32 @!p1 s9, $0x7;
	s19 =	sand.u32 @!p1 $0x78, s8;
	s20 =	sshll.u32 @!p1 s11, $0xF  }
0x1c: {  	s21 =	sshll.u32 @!p1 s10, $0x9;
	s16 =	sshll.u32 @!p1 s16, $0xE;
	s18 =	sand.u32 @!p1 $0x380, s18  }
0x1d: {  	s17 =	sand.u32 @!p1 $0xC00, s17;
	s16 =	sand.u32 @!p1 $0x4000, s16;
	s18 =	sor.u32 @!p1 s19, s18  }
0x1e: {  	s19 =	sand.u32 @!p1 $0x7, s8;
	s17 =	sor.u32 @!p1 s17, s18;
	s18 =	sadd.s32 @!p1 s2, s20  }
0x1f: {  	s19 =	sshll.u32 @!p1 s19, $0x12;
	s17 =	sshrl.u32 @!p1 s17, $0x3;
	s18 =	sadd.s32 @!p1 s21, s18  }
0x20: {  	s17 =	sadd.s32 @!p1 s17, s18;
	s18 =	sor.u32 @!p1 $0x800, s19;
	s19 =	simm.s32 @!p1 $0x1000  }
0x21: {  	[tilespmem:s16], [sflag:$0x1] =	stream.strided.gather @!p1 [hbm4b:s17+s18], $0x4000, s19, s18, $0x38;
	[tilespmem:$0x10000] =	vst v63  }
0x22: {  	p1 =	seq.s32 s7, $0x0  }
0x23: {  	p2 =	seq.s32 @!p1 s7, $0x41  }
0x24: {  	p1 =	por p1, p2  }
.Ltmp2:
0x25: {  	_ = 	snop;
	(pc) =	sbr.rel @p1 .LBB1_7-.Ltmp2, $1  }
0x26: {  	_ =	sdelay $0x3  }
0x27: {  	s16 =	simm.s32 $0x1;
	_ =	swait.ge [sflag:s4], $0x4000  }
0x28: {  	s31 =	sshll.u32 s7, $0xE;
	s21 =	simm.s32 $0x0;
	p1 =	por $0x0, $0x0  }
0x29: {  	s22 =	simm.s32 $0x0;
	s23 =	simm.s32 $0x0;
	s16 =	simm.s32 @!p0 $0x0  }
0x2a: {  	[sflag:s4] =	ssyncset.done $0x0;
	s19 =	sand.u32 $0x4000, s31;
	s16 =	sshll.u32 s16, $0x10  }
0x2b: {  	[sflag:s4] =	ssyncadd.s32 $0xFFFFC000;
	s20 =	sshrl.u32 s16, $0x2;
	s16 =	sor.u32 $0x8000, s19  }
0x2c: {  	s17 =	sor.u32 $0x40, s20;
	s18 =	sor.u32 $0x8410, s20;
	s20 =	sadd.s32 $0x8400, s20  }
.LBB1_3:
0x2d: {  	v1 =	vld [tilespmem:s17+$0xFFFFFFD0]  }
0x2e: {  	v2 =	vld [tilespmem:s17+$0x430]  }
0x2f: {  	s24 =	sshll.u32 s23, $0xB;
	v4 =	vld [tilespmem:s17+$0xFFFFFFE0]  }
0x30: {  	v7 =	vld [tilespmem:s17+$0xFFFFFFF0];
	v0 =	vmov s24  }
0x31: {  	v8 =	vld [tilespmem:s17+$0x0]  }
0x32: {  	s30 =	sand.u32 $0x300, s21;
	v9 =	vld [tilespmem:s17+$0x10]  }
0x33: {  	s25 =	sand.u32 $0x80, s21;
	v10 =	vld [tilespmem:s17+$0x20];
	s24 =	sadd.s32 s30, s19  }
0x34: {  	v11 =	vld [tilespmem:s17+$0x30];
	s24 =	sadd.s32 s25, s24;
	s25 =	simm.s32 $0x1;
	[tilespmem:s18+$0x60] =	vst v2  }
0x35: {  	s31 =	sshll.u32 s22, $0x2;
	s25 =	simm.s32 @!p1 $0x0;
	[tilespmem:s18+$0xFFFFFC00] =	vst v1;
	v3 =	vld.idx.msk [tilespmem:v0+s24+$0x400 ss:$0x1], $0xffff  }
0x36: {  	v6 =	vld [tilespmem:s17+$0x3D0];
	s25 =	sshll.u32 s25, $0x9;
	[tilespmem:s18+$0xFFFFFC10] =	vst v4;
	s24 =	sand.u32 $0xFFFFFC00, s31  }
0x37: {  	v5 =	vld [tilespmem:s17+$0x3E0];
	[tilespmem:s18+$0xFFFFFC20] =	vst v7;
	s24 =	sor.u32 s25, s24  }
0x38: {  	[tilespmem:s18+$0xFFFFFC30] =	vst v8;
	v4 =	vld [tilespmem:s17+$0x400];
	s24 =	sshrl.u32 s24, $0x2  }
0x39: {  	[tilespmem:s18+$0xFFFFFC40] =	vst v9;
	v1 =	vld [tilespmem:s17+$0x410];
	s24 =	sadd.s32 s24, s20  }
0x3a: {  	[tilespmem:s24+$0x0] =	vst v3;
	v3 =	vld [tilespmem:s17+$0x3F0]  }
0x3b: {  	s28 =	simm.s32 $0x80;
	s27 =	simm.s32 $0x100;
	[tilespmem:s18+$0xFFFFFC50] =	vst v10;
	v2 =	vld [tilespmem:s17+$0x420]  }
0x3c: {  	s26 =	smov.u32 s18;
	s29 =	sand.u32 $0x300, s28;
	v7 =	vld [tilespmem:s17+$0xFFFFFFC0];
	[tilespmem:s18+$0xFFFFFC60] =	vst v11;
	s25 =	sadd.s32 $0x80, s17  }
.LBB1_4:
0x3d: {  	p2 =	sne.s32 s27, $0x380;
	v8 =	vld [tilespmem:s25+$0xFFFFFFD0];
	s28 =	sand.u32 $0x80, s28;
	s29 =	sadd.s32 s29, s19;
	[tilespmem:s26+$0x0] =	vst v6  }
0x3e: {  	s29 =	sadd.s32 s28, s29;
	v6 =	vld [tilespmem:s25+$0x430];
	[tilespmem:s26+$0x10] =	vst v5;
	s28 =	smov.u32 s27  }
0x3f: {  	v5 =	vld.idx.msk [tilespmem:v0+s29+$0x400 ss:$0x1], $0xffff;
	[tilespmem:s26+$0x20] =	vst v3  }
0x40: {  	v3 =	vld [tilespmem:s25+$0xFFFFFFE0];
	[tilespmem:s26+$0x30] =	vst v4  }
0x41: {  	v4 =	vld [tilespmem:s25+$0xFFFFFFF0];
	[tilespmem:s26+$0xFFFFFBF0] =	vst v7  }
0x42: {  	v7 =	vld [tilespmem:s25+$0x0];
	[tilespmem:s26+$0x40] =	vst v1  }
0x43: {  	v1 =	vld [tilespmem:s25+$0x10];
	[tilespmem:s26+$0x50] =	vst v2;
	s26 =	sadd.s32 $0x800, s26  }
0x44: {  	s24 =	sadd.s32 $0x800, s24;
	v2 =	vld [tilespmem:s25+$0x20];
	[tilespmem:s26+$0x60] =	vst v6  }
0x45: {  	v9 =	vld [tilespmem:s25+$0x30];
	[tilespmem:s24+$0x0] =	vst v5  }
0x46: {  	[tilespmem:s26+$0xFFFFFC00] =	vst v8;
	v6 =	vld [tilespmem:s25+$0x3D0]  }
0x47: {  	[tilespmem:s26+$0xFFFFFC10] =	vst v3;
	v5 =	vld [tilespmem:s25+$0x3E0]  }
.Ltmp3:
0x48: {  	[tilespmem:s26+$0xFFFFFC20] =	vst v4;
	v3 =	vld [tilespmem:s25+$0x3F0];
	(pc) =	sbr.rel @p2 .LBB1_4-.Ltmp3, $4  }
0x49: {  	[tilespmem:s26+$0xFFFFFC30] =	vst v7;
	v4 =	vld [tilespmem:s25+$0x400]  }
0x4a: {  	[tilespmem:s26+$0xFFFFFC40] =	vst v1;
	v1 =	vld [tilespmem:s25+$0x410]  }
0x4b: {  	[tilespmem:s26+$0xFFFFFC50] =	vst v2;
	v2 =	vld [tilespmem:s25+$0x420]  }
0x4c: {  	s27 =	sadd.s32 $0x80, s27;
	s29 =	sand.u32 $0x300, s28;
	v7 =	vld [tilespmem:s25+$0xFFFFFFC0];
	[tilespmem:s26+$0xFFFFFC60] =	vst v9;
	s25 =	sadd.s32 $0x80, s25  }
0x4d: {  	[tilespmem:s26+$0x0] =	vst v6  }
0x4e: {  	[tilespmem:s26+$0x10] =	vst v5  }
0x4f: {  	v49 =	vld [tilespmem:s25+$0x430];
	[tilespmem:s26+$0x20] =	vst v3  }
0x50: {  	v50 =	vld [tilespmem:s25+$0xFFFFFFD0];
	[tilespmem:s26+$0x30] =	vst v4  }
0x51: {  	v51 =	vld [tilespmem:s25+$0xFFFFFFE0];
	[tilespmem:s26+$0x40] =	vst v1  }
0x52: {  	v52 =	vld [tilespmem:s25+$0xFFFFFFF0];
	[tilespmem:s26+$0x50] =	vst v2  }
0x53: {  	s31 =	sadd.s32 $0x800, s26;
	v53 =	vld [tilespmem:s25+$0x0];
	[tilespmem:s26+$0xFFFFFBF0] =	vst v7  }
0x54: {  	v54 =	vld [tilespmem:s25+$0x10];
	[tilespmem:s31+$0x60] =	vst v49  }
0x55: {  	v55 =	vld [tilespmem:s25+$0x20];
	[tilespmem:s31+$0xFFFFFC00] =	vst v50  }
0x56: {  	v56 =	vld [tilespmem:s25+$0x30];
	[tilespmem:s31+$0xFFFFFC10] =	vst v51  }
0x57: {  	v57 =	vld [tilespmem:s25+$0x3D0];
	[tilespmem:s31+$0xFFFFFC20] =	vst v52  }
0x58: {  	v58 =	vld [tilespmem:s25+$0x3E0];
	[tilespmem:s31+$0xFFFFFC30] =	vst v53  }
0x59: {  	v59 =	vld [tilespmem:s25+$0x3F0];
	[tilespmem:s31+$0xFFFFFC40] =	vst v54  }
0x5a: {  	v60 =	vld [tilespmem:s25+$0x400];
	[tilespmem:s31+$0xFFFFFC50] =	vst v55  }
0x5b: {  	v61 =	vld [tilespmem:s25+$0xFFFFFFC0];
	[tilespmem:s31+$0xFFFFFC60] =	vst v56  }
0x5c: {  	s27 =	sand.u32 $0x80, s28;
	s30 =	sadd.s32 s29, s19;
	v62 =	vld [tilespmem:s25+$0x410];
	[tilespmem:s31+$0x0] =	vst v57  }
0x5d: {  	v63 =	vld [tilespmem:s25+$0x420];
	s23 =	sadd.s32 $0x1, s23;
	s27 =	sadd.s32 s27, s30;
	[tilespmem:s31+$0x10] =	vst v58  }
0x5e: {  	p2 =	sne.s32 s23, $0x8;
	v0 =	vld.idx.msk [tilespmem:v0+s27+$0x400 ss:$0x1], $0xffff;
	[tilespmem:s31+$0x20] =	vst v59  }
.Ltmp4:
0x5f: {  	[tilespmem:s31+$0x30] =	vst v60;
	(pc) =	sbr.rel @p2 .LBB1_3-.Ltmp4, $4  }
0x60: {  	[tilespmem:s31+$0xFFFFFBF0] =	vst v61  }
0x61: {  	[tilespmem:s31+$0x40] =	vst v62  }
0x62: {  	s24 =	sadd.s32 $0x800, s24;
	s17 =	sadd.s32 $0x800, s17;
	[tilespmem:s31+$0x50] =	vst v63  }
0x63: {  	s22 =	sadd.s32 $0x80, s22;
	p1 =	por !p1, !p1;
	s18 =	sadd.s32 $0x80, s18;
	[tilespmem:s24+$0x0] =	vst v0  }
0x64: {  	s17 =	sand.u32 $0x78, s12  }
0x65: {  	s18 =	sshll.u32 s15, $0x9;
	s19 =	sshll.u32 s12, $0x3;
	s27 =	sshll.u32 s15, $0x7  }
0x66: {  	s14 =	sshll.u32 s14, $0xF;
	s13 =	sshll.u32 s13, $0xC;
	s30 =	sand.u32 $0x7, s12  }
0x67: {  	s18 =	sand.u32 $0x7000, s18;
	s19 =	sand.u32 $0x7C00, s19;
	s28 =	sand.u32 $0x200, s27  }
0x68: {  	s15 =	sand.u32 $0x180, s27;
	s14 =	sadd.s32 s3, s14;
	s18 =	sadd.s32 s18, s19  }
.Ltmp5:
0x69: {  	s15 =	sor.u32 s15, s17;
	s18 =	sor.u32 s28, s18;
	(pc) =	sbr.rel .LBB1_7-.Ltmp5, $4  }
0x6a: {  	s13 =	sadd.s32 s13, s14;
	s15 =	sshrl.u32 s15, $0x3;
	s29 =	sshrl.u32 s18, $0x3  }
0x6b: {  	s12 =	sshll.u32 s30, $0x12;
	s13 =	sadd.s32 s15, s13;
	s31 =	sand.u32 $0xFC0, s29  }
0x6c: {  	s12 =	sor.u32 $0x800, s12;
	s13 =	sadd.s32 s31, s13  }
0x6d: {  	[hbm4b:s13+s12] =	stream.strided.scatter [tilespmem:s16], [sflag:$0x2], $0x4000, s6, s12, $0x38;
	[tilespmem:$0x10000] =	vst v63  }
.LBB1_8:
0x6e: {  	_ =	sfence.sel $0x180000  }
0x6f: {  	s2 =	simm.s32 $0x1;
	[bflag:$0x0] =	sbarrier.arrive $0xFFFF  }
0x70: {  	s31 =	simm.s32 $0x2;
	[sflag:s2] =	ssyncpa.u1 $0x1  }
0x71: {  	[sflag:s31] =	ssyncpa.u1 $0x1  }
0x72: {  	p0 =	sne.s32 s1, $0x0;
	_ =	strace $0x90000047  }
0x73: {  	s0 =	sadd.s32 @!p0 $0x100000, s0;
	[bflag:$0x2] =	sbarrier.arrive $0xFFFF  }
0x74: {  	[sflag:s0] =	ssyncadd.tile.s32 @!p0 $0x1;
	_ =	shalt  }
.Lfunc_end1:
_tile_overlayer_lowered:
.L_overlay_start_2:
0x75: {  	(tag) =	ssettag $0x2  }
0x76: {  	s0 =	rddreg [dreg:$0x0];
	s2 =	stileid.u32  }
0x77: {  	s1 =	rddreg [dreg:$0x1];
	p0 =	sne.s32 s2, $0x0  }
0x78: {  	s3 =	rddreg [dreg:$0x2];
	[bflag:$0x3] =	sbarrier.arrive $0xFFFF;
	s2 =	simm.s32 @!p0 $0x1C01  }
0x79: {  	[timem:s3], [sflag:s2] =	dma.local @!p0 [hbm:s0], s1  }
0x7a: {  	s0 =	simm.s32 @!p0 $0x1  }
0x7b: {  	_ =	swait.ge @!p0 [sflag:s0], s1  }
0x7c: {  	s1 =	ssub.s32 @!p0 $0x0, s1;
	[sflag:s0] =	ssyncset.done @!p0 $0x0  }
0x7d: {  	[sflag:s0] =	ssyncadd.s32 @!p0 s1  }
0x7e: {  	[bflag:$0x3] =	sbarrier.arrive $0xFFFF  }
0x7f: {  	_ =	shalt  }

</sc_bundles>
